<compile_context>
chip_gen: v7x
topology: tpu7x:2x2x1
jax: 0.10.2.dev20260603
libtpu: 0.0.44.dev20260713+nightly
codegen_flags: <defaults>
</compile_context>

<pallas_src>
import jax
import jax.numpy as jnp
from jax.experimental import pallas as pl

_N = 524288
_ROWS = _N * 48 // 1024
_BR = 1024
_PAT = 7 * 48


def _copy_body(x_ref, o_ref):
    i = pl.program_id(0)
    o_ref[...] = x_ref[...]

    @pl.when(i == 0)
    def _patch():
        col = jax.lax.broadcasted_iota(jnp.int32, (1, 1024), 1)
        pat = (col % 48).astype(jnp.float32)
        o_ref[0:1, :] = jnp.where(col < _PAT, pat, x_ref[0:1, :])


def kernel(x):
    xv = x.reshape(_ROWS, 1024)
    out = pl.pallas_call(
        _copy_body,
        grid=(_ROWS // _BR,),
        in_specs=[pl.BlockSpec((_BR, 1024), lambda i: (i, 0))],
        out_specs=pl.BlockSpec((_BR, 1024), lambda i: (i, 0)),
        out_shape=jax.ShapeDtypeStruct((_ROWS, 1024), jnp.float32),
    )(xv)
    return out.reshape(_N, 6, 8)

# --- scband reference (transcript-rebuilt; emitter-appended) ---
"""Pipeline reference for scband-put-model-31327491457479 (READ-ONLY COPY).

The authoritative reference and input builder live on the scoring server;
editing this copy changes nothing except your own understanding.
"""

import jax, jax.numpy as jnp
import numpy as np

N = 524288

def setup_inputs(seed: int = 0) -> dict:
    key = jax.random.key(seed)
    x = jax.random.normal(key, (N, 6, 8), dtype=jnp.float32)
    return {"x": x}

def reference(x):
    # Faithful translation of put_model.forward with accumulate=False:
    #   index = [1, 0, 3, 2, 4, 6, 5]
    #   t = arange(0, 48).reshape(6, 8)
    #   x.index_put_([index], t, accumulate=False)
    # torch broadcasts t (6,8) against x[index] of shape (7,6,8).
    index = jnp.array([1, 0, 3, 2, 4, 6, 5], dtype=jnp.int32)
    t = jnp.arange(0, 48, 1, dtype=jnp.float32).reshape(6, 8)
    vals = jnp.broadcast_to(t, (index.shape[0], 6, 8))
    # accumulate=False -> scatter-overwrite
    out = x.at[index].set(vals)
    return out

if __name__ == "__main__":
    import jax
    _d = setup_inputs()
    print(jax.jit(kernel)(*tuple(_d.values())))

</pallas_src>

<mosaic_0001>
module attributes {stable_mosaic.version = 14 : i64} {
  func.func @_copy_body(%arg0: i32, %arg1: memref<1024x1024xf32, #tpu.memory_space<vmem>>, %arg2: memref<1024x1024xf32, #tpu.memory_space<vmem>>) attributes {dimension_semantics = [#tpu.dimension_semantics<arbitrary>], iteration_bounds = array<i64: 24>, scalar_prefetch = 0 : i64, scratch_operands = 0 : i64, tpu.core_type = #tpu.core_type<tc>, window_params = [{transform_indices = @transform_0, window_bounds = array<i64: 1024, 1024>}, {transform_indices = @transform_1, window_bounds = array<i64: 1024, 1024>}]} {
    %get3A = arith.constant 0 : index
    %get3A_0 = arith.constant 0 : index
    %get3A_1 = vector.load %arg1[%get3A, %get3A_0] : memref<1024x1024xf32, #tpu.memory_space<vmem>>, vector<1024x1024xf32>
    %swap3A = arith.constant 0 : index
    %swap3A_2 = arith.constant 0 : index
    %swap3A_3 = vector.load %arg2[%swap3A, %swap3A_2] : memref<1024x1024xf32, #tpu.memory_space<vmem>>, vector<1024x1024xf32>
    tpu.vector_store %arg2[%swap3A, %swap3A_2], %get3A_1 {strides = array<i32>} : memref<1024x1024xf32, #tpu.memory_space<vmem>>, vector<1024x1024xf32>,
    %eq3A = arith.constant 0 : i32
    %eq3A_4 = arith.cmpi eq, %arg0, %eq3A : i32
    %convert_element_type3A = arith.extui %eq3A_4 : i1 to i32
    %cond3A = arith.constant 0 : i32
    %cond3A_5 = arith.cmpi ne, %convert_element_type3A, %cond3A : i32
    scf.if %cond3A_5 {
      %iota3A = tpu.iota {dimensions = array<i32: 1>} : vector<1x1024xi32>
      %jit3A = arith.constant 48 : i32
      %eq3A_6 = arith.constant 0 : i32
      %eq3A_7 = arith.cmpi eq, %jit3A, %eq3A_6 : i32
      %jit3A_8 = arith.constant 1 : i32
      %select_n3A = arith.select %eq3A_7, %jit3A_8, %jit3A : i32
      %rem3A = vector.broadcast %select_n3A : i32 to vector<1x1024xi32>
      %rem3A_9 = arith.remsi %iota3A, %rem3A : vector<1x1024xi32>
      %ne3A = arith.constant 0 : i32
      %ne3A_10 = vector.broadcast %ne3A : i32 to vector<1x1024xi32>
      %ne3A_11 = arith.cmpi ne, %rem3A_9, %ne3A_10 : vector<1x1024xi32>
      %lt3A = arith.constant 0 : i32
      %lt3A_12 = vector.broadcast %lt3A : i32 to vector<1x1024xi32>
      %lt3A_13 = arith.cmpi slt, %rem3A_9, %lt3A_12 : vector<1x1024xi32>
      %lt3A_14 = arith.constant 0 : i32
      %lt3A_15 = arith.cmpi slt, %select_n3A, %lt3A_14 : i32
      %ne3A_16 = vector.broadcast %lt3A_15 : i1 to vector<1x1024xi1>
      %ne3A_17 = vector.broadcast %ne3A_16 : vector<1x1024xi1> to vector<1x1024xi1>
      %ne3A_18 = arith.xori %lt3A_13, %ne3A_17 : vector<1x1024xi1>
      %and3A = arith.andi %ne3A_18, %ne3A_11 : vector<1x1024xi1>
      %add3A = vector.broadcast %select_n3A : i32 to vector<1x1024xi32>
      %add3A_19 = arith.addi %rem3A_9, %add3A : vector<1x1024xi32>
      %select_n3A_20 = arith.select %and3A, %add3A_19, %rem3A_9 : vector<1x1024xi1>, vector<1x1024xi32>
      %convert_element_type3A_21 = arith.sitofp %select_n3A_20 : vector<1x1024xi32> to vector<1x1024xf32>
      %lt3A_22 = arith.constant 336 : i32
      %lt3A_23 = vector.broadcast %lt3A_22 : i32 to vector<1x1024xi32>
      %lt3A_24 = arith.cmpi slt, %iota3A, %lt3A_23 : vector<1x1024xi32>
      %get3A_25 = arith.constant 0 : index
      %get3A_26 = arith.constant 0 : index
      %get3A_27 = vector.load %arg1[%get3A_25, %get3A_26] : memref<1024x1024xf32, #tpu.memory_space<vmem>>, vector<1x1024xf32>
      %select_n3A_28 = arith.select %lt3A_24, %convert_element_type3A_21, %get3A_27 : vector<1x1024xi1>, vector<1x1024xf32>
      %swap3A_29 = arith.constant 0 : index
      %swap3A_30 = arith.constant 0 : index
      %swap3A_31 = vector.load %arg2[%swap3A_29, %swap3A_30] : memref<1024x1024xf32, #tpu.memory_space<vmem>>, vector<1x1024xf32>
      tpu.vector_store %arg2[%swap3A_29, %swap3A_30], %select_n3A_28 {strides = array<i32>} : memref<1024x1024xf32, #tpu.memory_space<vmem>>, vector<1x1024xf32>,
    } else {
    }
    return
  }
  func.func @transform_0(%arg0: i32) -> (i32, i32) {
    %c0_i32 = arith.constant 0 : i32
    %c0_i32_0 = arith.constant 0 : i32
    return %arg0, %c0_i32 : i32, i32
  }
  func.func @transform_1(%arg0: i32) -> (i32, i32) {
    %c0_i32 = arith.constant 0 : i32
    %c0_i32_0 = arith.constant 0 : i32
    return %arg0, %c0_i32 : i32, i32
  }
}

</mosaic_0001>

<sc_bundles>
// kernel: sparse-core-data-format-call.cloned.1.call-start
scs
called_computation_lowered:
.L_overlay_start_0:
0x0: {  	s2 =	sld [smem:$0x3FD9]  }
0x1: {  	s3 =	sld [smem:$0x3FFE];
	_ =	sdelay $0x1  }
0x2: {  	s1 =	srdreg.scid  }
0x3: {  	s0 =	sand.u32 $0x1, s1  }
0x4: {  	s18 =	sshll.u32 s0, $0xA;
	s2 =	sadd.s32 s3, s2  }
0x5: {  	s2 =	sadd.s32 s2, s18  }
0x6: {  	[smem:$0x3FC7] =	sst s2  }
0x7: {  	_ = 	snop  }
0x8: {  	s2 =	sld [smem:$0x3FD0];
	(tm) =	ssettm $0x1  }
0x9: {  	s19 =	sld [smem:$0x3FFB];
	_ =	sdelay $0x3  }
0xa: {  	_ =	strace s19  }
0xb: {  	s3 =	sld [smem:$0x3FFC];
	_ =	sdelay $0x3  }
0xc: {  	_ =	strace s3  }
0xd: {  	s3 =	sld [smem:$0x3FFD];
	_ =	sdelay $0x3  }
0xe: {  	_ =	strace s3  }
0xf: {  	_ =	strace $0x8FFFFFFF  }
0x10: {  	s20 =	sld [smem:$0x3FDB];
	_ =	sdelay $0x1  }
0x11: {  	s4 =	simm.s32 $_scs_section_size  }
0x12: {  	s5 =	simm.s32 $_size__tile_overlayer_lowered;
	s6 =	simm.s32 $_tile_overlayer_lowered  }
0x13: {  	s23 =	simm.s32 $0x1BFF;
	s22 =	sshll.u32 s6, $0x1;
	s3 =	sadd.s32 s4, s20  }
0x14: {  	s7 =	simm.s32 $0x0;
	s21 =	sshll.u32 s5, $0x1;
	s5 =	sadd.s32 s22, s3  }
0x15: {  	[timem:s7], [sflag:s23] =	dma.local [hbm:s5], s21  }
0x16: {  	_ =	swait.ge [sflag:s23], s21  }
0x17: {  	s4 =	ssub.s32 $0x0, s21;
	[sflag:s23] =	ssyncset.done $0x0  }
0x18: {  	[sflag:s23] =	ssyncadd.s32 s4;
	_ =	sdelay $0x1  }
0x19: {  	s24 =	simm.s32 $0x1B8B  }
0x1a: {  	_ =	swait.ge [sflag:s24], $0x1  }
0x1b: {  	[sflag:s24] =	ssyncset.done $0x0  }
0x1c: {  	s26 =	simm.s32 $0x1B8E;
	s25 =	sld [smem:$0x3FFE];
	[sflag:s24] =	ssyncadd.s32 $0xFFFFFFFF  }
0x1d: {  	s27 =	simm.s32 $execute0_lowered;
	[smem:$0x3FD2] =	sst s26  }
0x1e: {  	s5 =	sshll.u32 s27, $0x1;
	_ =	strace $0x80000046;
	[dreg:$0x1] =	wrdreg $0xFFFFFFFF  }
0x1f: {  	s28 =	simm.s32 $_size_execute0_lowered;
	s3 =	sadd.s32 s3, s5;
	[dreg:$0x0] =	wrdreg $0x0  }
0x20: {  	s5 =	sshll.u32 s28, $0x1;
	[dreg:$0x2] =	wrdreg s3  }
0x21: {  	[dreg:$0x3] =	wrdreg s5  }
0x22: {  	[dreg:$0x4] =	wrdreg $0xC0  }
0x23: {  	_ =	task [dreg:s7], $0x5FFFF  }
0x24: {  	[dreg:$0x1] =	wrdreg $0xFFFFFFFF  }
0x25: {  	[dreg:$0x0] =	wrdreg $0x60  }
0x26: {  	[dreg:$0x2] =	wrdreg s25  }
0x27: {  	[dreg:$0x3] =	wrdreg s2  }
0x28: {  	[dreg:$0x4] =	wrdreg $0x9  }
0x29: {  	_ =	task.clear_ibuf [dreg:s7], $0x5FFFF;
	_ =	strace $0x90000046  }
0x2a: {  	s29 =	simm.s32 $0x9;
	_ =	strace $0x80000048  }
0x2b: {  	_ =	swait.ge [sflag:s29], $0x1  }
0x2c: {  	[sflag:s29] =	ssyncadd.s32 $0xFFFFFFFF  }
0x2d: {  	_ =	strace $0x90000048  }
0x2e: {  	_ =	sfence  }
0x2f: {  	s30 =	sld [smem:$0x0];
	_ =	sdelay $0x2  }
0x30: {  	s31 =	sshll.u32 s1, $0xD;
	s1 =	sshrl.u32 s1, $0x2  }
0x31: {  	s3 =	sand.u32 $0x4000, s31;
	s1 =	sadd.s32 s1, s30  }
0x32: {  	s0 =	sor.u32 s3, s0;
	s1 =	sshll.u32 s1, $0x11  }
0x33: {  	s0 =	sor.u32 s1, s0  }
0x34: {  	s0 =	sadd.s32 $0x8F2B, s0  }
0x35: {  	[sflag:s0] =	ssyncadd.remote.s32 $0x1  }
0x36: {  	_ =	sfence.sel $0xFFFF  }
0x37: {  	[dreg:$0x0] =	wrdreg $0xFFFFFFFF;
	(pc) =	sbr.abs _section_cstart, $3  }
0x38: {  	[dreg:$0x1] =	wrdreg $0xFFFFFFFF  }
0x39: {  	_ =	task.clear_ibuf [dreg:s7], $0x2FFFF;
	_ =	strace $0x9FFFFFFF  }
0x3a: {  	(tm) =	ssettm $0x7FFFFFFF  }
0x3b: {  	_ =	shalt  }
tec
execute0_lowered:
.L_overlay_start_1:
0x0: {  	(tag) =	ssettag $0x1  }
0x1: {  	s0 =	srdreg.scid  }
0x2: {  	s1 =	sshll.u32 s0, $0x4  }
0x3: {  	s0 =	stileid.u32;
	s1 =	sand.u32 $0x10, s1  }
0x4: {  	s1 =	sor.u32 s0, s1  }
0x5: {  	s6 =	rddreg [dreg:$0x0];
	s2 =	sshll.u32 s1, $0x7  }
0x6: {  	s3 =	rddreg [dreg:$0x1];
	s5 =	simm.s32 $0x1;
	s4 =	ssub.s32 $0x80000, s2  }
0x7: {  	s31 =	simm.s32 $0x2;
	s12 =	simm.s32 $0x0;
	s30 =	sand.u32 $0xF80, s4  }
0x8: {  	s11 =	simm.s32 $0x0;
	s8 =	simm.s32 $0x0;
	p0 =	sne.s32 s30, $0x0  }
.Ltmp0:
0x9: {  	s7 =	sshrl.u32 s4, $0xC;
	s5 =	simm.s32 @!p0 $0x0;
	(pc) =	sbr.rel .LBB1_1-.Ltmp0, $4  }
0xa: {  	s10 =	simm.s32 $0x0;
	s1 =	rddreg [dreg:$0x2];
	s5 =	sadd.s32 s5, s7  }
0xb: {  	_ =	strace $0x80000047;
	s4 =	simm.s32 $0x1;
	s5 =	smul.u32 $0x6, s5  }
0xc: {  	s6 =	sadd.s32 $0x300400, s6;
	s9 =	smov.u32 s2;
	[sflag:s4] =	ssyncpa.u1 $0x0  }
0xd: {  	[sflag:s31] =	ssyncpa.u1 $0x0;
	p0 =	por $0x0, $0x0;
	s7 =	sor.u32 $0x1, s5  }
.LBB1_4:
0xe: {  	s15 =	sshll.u32 s11, $0x3  }
0xf: {  	s16 =	sand.u32 $0x78, s11;
	s17 =	sand.u32 $0x70000, s11;
	s15 =	sand.u32 $0x7FC00, s15  }
0x10: {  	s12 =	sshll.u32 s12, $0x13;
	s30 =	sadd.s32 s3, s17;
	s15 =	sor.u32 s16, s15  }
0x11: {  	s12 =	sadd.s32 s12, s30;
	s15 =	sshrl.u32 s15, $0x3  }
0x12: {  	[tilespmem:s14+$0x0 ss:$0x81] =	vst.msk $0xff, v1;
	s31 =	sand.u32 $0x7, s11;
	s12 =	sadd.s32 s15, s12  }
0x13: {  	[hbm4b:s12+s31] =	stream.linear.scatter [tilespmem:s13], [sflag:$0x2], $0x400, $0x20;
	[tilespmem:$0x1010] =	vst v63  }
.LBB1_5:
0x14: {  	s13 =	sadd.s32 $0x1, s8  }
0x15: {  	s11 =	sadd.s32 $0x1000, s9;
	s15 =	smov.u32 s9;
	p2 =	sgt.s32 s13, $0x5  }
0x16: {  	s15 =	smov.u32 @p2 s11  }
0x17: {  	s13 =	simm.s32 @p2 $0x0;
	p2 =	sgt.s32 s15, $0x7FFFF  }
0x18: {  	s15 =	smov.u32 @p2 s2;
	p2 =	sne.s32 s10, s7  }
.Ltmp1:
0x19: {  	p1 =	slt.u32 s10, $0x2;
	(pc) =	sbr.rel @!p2 .LBB1_6-.Ltmp1, $4  }
0x1a: {  	s14 =	simm.s32 @!p1 $0x2  }
0x1b: {  	s12 =	smov.u32 s8;
	p0 =	por !p0, !p0;
	_ =	swait.ge @!p1 [sflag:s14], $0x400  }
0x1c: {  	s11 =	smov.u32 s9;
	[sflag:s14] =	ssyncset.done @!p1 $0x0;
	s8 =	smov.u32 s13  }
0x1d: {  	s10 =	sadd.s32 $0x1, s10;
	[sflag:s14] =	ssyncadd.s32 @!p1 $0xFFFFFC00;
	s9 =	smov.u32 s15  }
.LBB1_1:
0x1e: {  	p1 =	sge.u32 s10, s5  }
0x1f: {  	s31 =	sadd.s32 $0xFFFFFFFF, s10;
	s13 =	sxor.u32 @!p1 $0xFFFFFFFF, s10  }
0x20: {  	s14 =	sshll.u32 @!p1 s9, $0x7;
	s15 =	sshll.u32 @!p1 s8, $0x4;
	s16 =	simm.s32 @!p1 $0x400  }
0x21: {  	s13 =	sshll.u32 @!p1 s13, $0xA;
	s15 =	sand.u32 @!p1 $0x70, s15;
	s14 =	sadd.s32 @!p1 s6, s14  }
0x22: {  	s13 =	sand.u32 @!p1 $0x400, s13;
	s14 =	sadd.s32 @!p1 s15, s14;
	s15 =	simm.s32 @!p1 $0x8  }
0x23: {  	[tilespmem:s13], [sflag:$0x1] =	stream.strided.gather @!p1 [hbm4b:s14+s15], $0x400, s16, s15, $0x38;
	[tilespmem:$0x1010] =	vst v63  }
0x24: {  	p1 =	sge.u32 s31, s5  }
.Ltmp2:
0x25: {  	_ = 	snop;
	(pc) =	sbr.rel @p1 .LBB1_5-.Ltmp2, $1  }
0x26: {  	_ =	sdelay $0x3  }
0x27: {  	s13 =	simm.s32 $0x1  }
0x28: {  	s13 =	simm.s32 @!p0 $0x0  }
0x29: {  	s14 =	sshll.u32 s13, $0xA  }
0x2a: {  	v0 =	vmov s14;
	_ =	sdelay $0x1  }
0x2b: {  	_ =	swait.ge [sflag:s4], $0x400  }
0x2c: {  	s31 =	sand.u32 $0x1, s10;
	[sflag:s4] =	ssyncset.done $0x0  }
0x2d: {  	s16 =	simm.s32 $0x0;
	s13 =	smul.u32 $0x1020, s13;
	[sflag:s4] =	ssyncadd.s32 $0xFFFFFC00  }
0x2e: {  	s14 =	smul.u32 $0x1020, s31;
	v1 =	vld.idx.msk [tilespmem:v0+s16+$0x0 ss:$0x1], $0xff;
	_ =	sdelay $0x1  }
0x2f: {  	s13 =	sshrl.u32 s13, $0x2;
	s15 =	sshrl.u32 s14, $0x2  }
0x30: {  	s14 =	sor.u32 $0x800, s13;
	s13 =	sor.u32 $0x800, s15;
	s15 =	simm.s32 $0x20  }
.LBB1_3:
0x31: {  	s16 =	sshra.s32 s15, $0x2;
	p1 =	sne.s32 s15, $0xFE0;
	s15 =	sadd.s32 $0x20, s15  }
.Ltmp3:
0x32: {  	[tilespmem:s14+$0x0 ss:$0x81] =	vst.msk $0xff, v1;
	v1 =	vld.idx.msk [tilespmem:v0+s16+$0x0 ss:$0x1], $0xff;
	(pc) =	sbr.rel @p1 .LBB1_3-.Ltmp3, $2  }
0x33: {  	_ =	sdelay $0x2  }
0x34: {  	s14 =	sadd.s32 $0x1, s14  }
.Ltmp4:
0x35: {  	_ = 	snop;
	(pc) =	sbr.rel .LBB1_4-.Ltmp4, $1  }
0x36: {  	_ =	sdelay $0x3  }
.LBB1_6:
0x37: {  	_ =	sfence.sel $0x180000  }
0x38: {  	s2 =	simm.s32 $0x1;
	[bflag:$0x0] =	sbarrier.arrive $0xFFFF  }
0x39: {  	s31 =	simm.s32 $0x2;
	[sflag:s2] =	ssyncpa.u1 $0x1  }
0x3a: {  	[sflag:s31] =	ssyncpa.u1 $0x1  }
0x3b: {  	p0 =	sne.s32 s0, $0x0;
	_ =	strace $0x90000047  }
0x3c: {  	s0 =	sadd.s32 @!p0 $0x100000, s1;
	[bflag:$0x2] =	sbarrier.arrive $0xFFFF  }
0x3d: {  	[sflag:s0] =	ssyncadd.tile.s32 @!p0 $0x1;
	_ =	shalt  }
.Lfunc_end1:
_tile_overlayer_lowered:
.L_overlay_start_2:
0x3e: {  	(tag) =	ssettag $0x2  }
0x3f: {  	s0 =	rddreg [dreg:$0x0];
	s2 =	stileid.u32  }
0x40: {  	s1 =	rddreg [dreg:$0x1];
	p0 =	sne.s32 s2, $0x0  }
0x41: {  	s3 =	rddreg [dreg:$0x2];
	[bflag:$0x3] =	sbarrier.arrive $0xFFFF;
	s2 =	simm.s32 @!p0 $0x1C01  }
0x42: {  	[timem:s3], [sflag:s2] =	dma.local @!p0 [hbm:s0], s1  }
0x43: {  	s0 =	simm.s32 @!p0 $0x1  }
0x44: {  	_ =	swait.ge @!p0 [sflag:s0], s1  }
0x45: {  	s1 =	ssub.s32 @!p0 $0x0, s1;
	[sflag:s0] =	ssyncset.done @!p0 $0x0  }
0x46: {  	[sflag:s0] =	ssyncadd.s32 @!p0 s1  }
0x47: {  	[bflag:$0x3] =	sbarrier.arrive $0xFFFF  }
0x48: {  	_ =	shalt  }

</sc_bundles>
